<compile_context>
chip_gen: v7x
topology: tpu7x:2x2x1
jax: 0.10.2.dev20260603
libtpu: 0.0.44.dev20260713+nightly
codegen_flags: <defaults>
</compile_context>

<pallas_src>
import jax
import jax.numpy as jnp
from jax import lax
from jax.experimental import pallas as pl
from jax.experimental.pallas import tpu as pltpu
from jax.experimental.pallas import tpu_sc as plsc

E = 320000
D_FEAT = 128
D_EDGE = 16
D_OUT = 17

NC = 2
NS = 16
NW = NC * NS
CHUNK = 1280
NCHUNKS = E // CHUNK
MAXCH_W = (NCHUNKS + NW - 1) // NW
L = 16
NGRP = CHUNK // L


def _edge_update(vattr_flat_hbm, edge_t_hbm, out_t_hbm,
                 out_v0, out_v1, col_v0, col_v1, idx_v,
                 esem0, esem1, gsem0, gsem1, wsem0, wsem1):
    wid = lax.axis_index("s") * NC + lax.axis_index("c")
    lanes = lax.iota(jnp.int32, L)
    bufs = ((out_v0, col_v0, esem0, gsem0, wsem0),
            (out_v1, col_v1, esem1, gsem1, wsem1))

    @plsc.parallel_loop(0, NGRP, unroll=8)
    def _idx(g):
        idx_v[pl.ds(g * L, L)] = (g * L + lanes) * D_FEAT + 1

    n = (NCHUNKS - wid + NW - 1) // NW

    def _issue(i, b):
        c0 = (wid + i * NW) * CHUNK
        out_v, col_v, esem, gsem, _ = bufs[b]
        pltpu.async_copy(edge_t_hbm.at[:, pl.ds(c0, CHUNK)],
                         out_v.at[pl.ds(0, D_EDGE), :], esem)
        pltpu.async_copy(
            vattr_flat_hbm.at[pl.ds(c0 * D_FEAT, CHUNK * D_FEAT)].at[idx_v],
            col_v, gsem)

    def _wait_reads(b):
        out_v, col_v, esem, gsem, _ = bufs[b]
        pltpu.make_async_copy(edge_t_hbm.at[:, pl.ds(0, CHUNK)],
                              out_v.at[pl.ds(0, D_EDGE), :], esem).wait()
        pltpu.make_async_copy(
            vattr_flat_hbm.at[pl.ds(0, CHUNK * D_FEAT)].at[idx_v],
            col_v, gsem).wait()

    def _write(i, b):
        out_v, _, _, _, wsem = bufs[b]
        c0 = (wid + i * NW) * CHUNK
        pltpu.async_copy(out_v, out_t_hbm.at[:, pl.ds(c0, CHUNK)], wsem)

    def _wait_write(b):
        out_v, _, _, _, wsem = bufs[b]
        pltpu.make_async_copy(out_v, out_t_hbm.at[:, pl.ds(0, CHUNK)],
                              wsem).wait()

    _issue(0, 0)

    def pair_body(p, carry):
        for b in (0, 1):
            i = 2 * p + b
            nb = 1 - b

            @pl.when(i + 1 < n)
            def _():
                @pl.when(i >= 1)
                def _():
                    _wait_write(nb)
                _issue(i + 1, nb)

            @pl.when(i < n)
            def _():
                _wait_reads(b)
                out_v, col_v = bufs[b][0], bufs[b][1]

                @plsc.parallel_loop(0, NGRP, unroll=8)
                def _col(g):
                    out_v[D_EDGE, pl.ds(g * L, L)] = col_v[pl.ds(g * L, L)]

                _write(i, b)
        return carry

    lax.fori_loop(0, (MAXCH_W + 1) // 2, pair_body, 0)
    _wait_write(0)
    _wait_write(1)


def kernel(vattr_i, vattr_j, edge_attr, g, batch):
    k = pl.kernel(
        _edge_update,
        out_type=jax.ShapeDtypeStruct((D_OUT, E), jnp.float32),
        mesh=plsc.VectorSubcoreMesh(core_axis_name="c", subcore_axis_name="s"),
        scratch_types=[
            pltpu.VMEM((D_OUT, CHUNK), jnp.float32),
            pltpu.VMEM((D_OUT, CHUNK), jnp.float32),
            pltpu.VMEM((CHUNK,), jnp.float32),
            pltpu.VMEM((CHUNK,), jnp.float32),
            pltpu.VMEM((CHUNK,), jnp.int32),
            pltpu.SemaphoreType.DMA,
            pltpu.SemaphoreType.DMA,
            pltpu.SemaphoreType.DMA,
            pltpu.SemaphoreType.DMA,
            pltpu.SemaphoreType.DMA,
            pltpu.SemaphoreType.DMA,
        ],
        compiler_params=pltpu.CompilerParams(needs_layout_passes=False),
    )
    out_t = k(vattr_j.reshape(E * D_FEAT), edge_attr.T)
    return out_t.T

# --- scband reference (transcript-rebuilt; emitter-appended) ---
"""Pipeline reference for scband-layer1-edge-update-91096256348922 (READ-ONLY COPY).

The authoritative reference and input builder live on the scoring server;
editing this copy changes nothing except your own understanding.
"""

import jax, jax.numpy as jnp
import numpy as np


def setup_inputs(seed: int = 0) -> dict:
    key = jax.random.key(seed)
    k1, k2, k3, k4 = jax.random.split(key, 4)
    E = 320000
    d_feat = 128
    d_edge = 16
    vattr_i = jax.random.normal(k1, (E, d_feat), dtype=jnp.float32)
    vattr_j = jax.random.normal(k2, (E, d_feat), dtype=jnp.float32)
    edge_attr = jax.random.normal(k3, (E, d_edge), dtype=jnp.float32)
    g = jax.random.normal(k4, (1, d_edge), dtype=jnp.float32)
    batch = jnp.zeros((E,), dtype=jnp.int32)
    return {"vattr_i": vattr_i, "vattr_j": vattr_j, "edge_attr": edge_attr, "g": g, "batch": batch}


def reference(vattr_i, vattr_j, edge_attr, g, batch):
    # Faithful translation of Layer1_EdgeUpdate.forward:
    #   C_i = vattr_j[:, 1].view(-1, 1); w_ij = C_i
    #   return torch.cat([edge_attr, w_ij], 1)
    C_i = vattr_j[:, 1].reshape(-1, 1)
    w_ij = C_i
    return jnp.concatenate([edge_attr, w_ij], axis=1)

if __name__ == "__main__":
    import jax
    _d = setup_inputs()
    print(jax.jit(kernel)(*tuple(_d.values())))

</pallas_src>

<mosaic_0001>
#map = affine_map<(d0, d1) -> (0)>
#map1 = affine_map<(d0, d1) -> (0, 0)>
module attributes {stable_mosaic.version = 14 : i64} {
  func.func @_edge_update(%arg0: i32, %arg1: i32, %arg2: memref<40960000xf32, #tpu.memory_space<hbm>>, %arg3: memref<16x320000xf32, #tpu.memory_space<hbm>>, %arg4: memref<17x320000xf32, #tpu.memory_space<hbm>>, %arg5: memref<17x1280xf32, #tpu.memory_space<vmem>>, %arg6: memref<17x1280xf32, #tpu.memory_space<vmem>>, %arg7: memref<1280xf32, #tpu.memory_space<vmem>>, %arg8: memref<1280xf32, #tpu.memory_space<vmem>>, %arg9: memref<1280xi32, #tpu.memory_space<vmem>>, %arg10: memref<!tpu.dma_semaphore, #tpu.memory_space<semaphore_mem>>, %arg11: memref<!tpu.dma_semaphore, #tpu.memory_space<semaphore_mem>>, %arg12: memref<!tpu.dma_semaphore, #tpu.memory_space<semaphore_mem>>, %arg13: memref<!tpu.dma_semaphore, #tpu.memory_space<semaphore_mem>>, %arg14: memref<!tpu.dma_semaphore, #tpu.memory_space<semaphore_mem>>, %arg15: memref<!tpu.dma_semaphore, #tpu.memory_space<semaphore_mem>>) attributes {dimension_semantics = [#tpu.dimension_semantics<core_parallel>, #tpu.dimension_semantics<subcore_parallel>], iteration_bounds = array<i64: 2, 16>, scalar_prefetch = 0 : i64, scratch_operands = 11 : i64, tpu.core_type = #tpu.core_type<sc_vector_subcore>, window_params = [{transform_indices = #map}, {transform_indices = #map1}, {transform_indices = #map1}]} {
    %mul3A = arith.constant 2 : i32
    %mul3A_0 = arith.muli %arg1, %mul3A : i32
    %add3A = arith.addi %mul3A_0, %arg0 : i32
    %iota3A = tpu.iota {dimensions = array<i32: 0>} : vector<16xi32>
    %parallel_loop3A = arith.constant 0 : i32
    %parallel_loop3A_1 = arith.constant 80 : i32
    %parallel_loop3A_2 = arith.constant 1 : i32
    scf.for %parallel_loop3A_59 = %parallel_loop3A to %parallel_loop3A_1 step %parallel_loop3A_2  : i32 {
      %parallel_loop3A_60 = arith.constant 16 : i32
      %parallel_loop3A_61 = arith.muli %parallel_loop3A_59, %parallel_loop3A_60 : i32
      %parallel_loop3A_62 = vector.broadcast %parallel_loop3A_61 : i32 to vector<16xi32>
      %parallel_loop3A_63 = arith.addi %parallel_loop3A_62, %iota3A : vector<16xi32>
      %parallel_loop3A_64 = arith.constant 128 : i32
      %parallel_loop3A_65 = vector.broadcast %parallel_loop3A_64 : i32 to vector<16xi32>
      %parallel_loop3A_66 = arith.muli %parallel_loop3A_63, %parallel_loop3A_65 : vector<16xi32>
      %parallel_loop3A_67 = arith.constant 1 : i32
      %parallel_loop3A_68 = vector.broadcast %parallel_loop3A_67 : i32 to vector<16xi32>
      %parallel_loop3A_69 = arith.addi %parallel_loop3A_66, %parallel_loop3A_68 : vector<16xi32>
      %parallel_loop3A_70 = arith.constant 16 : i32
      %parallel_loop3A_71 = arith.muli %parallel_loop3A_59, %parallel_loop3A_70 : i32
      %parallel_loop3A_72 = arith.index_cast %parallel_loop3A_71 : i32 to index
      %parallel_loop3A_73 = tpu.vector_load %arg9[%parallel_loop3A_72] {strides = array<i32>} : memref<1280xi32, #tpu.memory_space<vmem>>, vector<16xi32>,
      tpu.vector_store %arg9[%parallel_loop3A_72], %parallel_loop3A_69 {strides = array<i32>} : memref<1280xi32, #tpu.memory_space<vmem>>, vector<16xi32>,
    } {sc.loop_unroll_factor = 8 : i64, sc.parallel_access}
    %sub3A = arith.constant 250 : i32
    %sub3A_3 = arith.subi %sub3A, %add3A : i32
    %add3A_4 = arith.constant 32 : i32
    %add3A_5 = arith.addi %sub3A_3, %add3A_4 : i32
    %sub3A_6 = arith.constant 1 : i32
    %sub3A_7 = arith.subi %add3A_5, %sub3A_6 : i32
    %jit3A = arith.constant 32 : i32
    %div3A = arith.divsi %sub3A_7, %jit3A : i32
    %sign3A = arith.constant 0 : i32
    %sign3A_8 = arith.cmpi sgt, %sub3A_7, %sign3A : i32
    %sign3A_9 = arith.extui %sign3A_8 : i1 to i32
    %sign3A_10 = arith.constant 0 : i32
    %sign3A_11 = arith.cmpi slt, %sub3A_7, %sign3A_10 : i32
    %sign3A_12 = arith.extui %sign3A_11 : i1 to i32
    %sign3A_13 = arith.subi %sign3A_9, %sign3A_12 : i32
    %sign3A_14 = arith.constant 0 : i32
    %sign3A_15 = arith.cmpi sgt, %jit3A, %sign3A_14 : i32
    %sign3A_16 = arith.extui %sign3A_15 : i1 to i32
    %sign3A_17 = arith.constant 0 : i32
    %sign3A_18 = arith.cmpi slt, %jit3A, %sign3A_17 : i32
    %sign3A_19 = arith.extui %sign3A_18 : i1 to i32
    %sign3A_20 = arith.subi %sign3A_16, %sign3A_19 : i32
    %ne3A = arith.cmpi ne, %sign3A_13, %sign3A_20 : i32
    %rem3A = arith.remsi %sub3A_7, %jit3A : i32
    %ne3A_21 = arith.constant 0 : i32
    %ne3A_22 = arith.cmpi ne, %rem3A, %ne3A_21 : i32
    %and3A = arith.andi %ne3A, %ne3A_22 : i1
    %sub3A_23 = arith.constant 1 : i32
    %sub3A_24 = arith.subi %div3A, %sub3A_23 : i32
    %select_n3A = arith.select %and3A, %sub3A_24, %div3A : i32
    %add3A_25 = arith.constant 0 : i32
    %add3A_26 = arith.addi %add3A, %add3A_25 : i32
    %mul3A_27 = arith.constant 1280 : i32
    %mul3A_28 = arith.muli %add3A_26, %mul3A_27 : i32
    %dma_start3A = arith.constant 0 : i32
    %dma_start3A_29 = arith.constant 0 : i32
    %dma_start3A_30 = tpu.memref_slice %arg5[%dma_start3A, %dma_start3A_29] : memref<17x1280xf32, #tpu.memory_space<vmem>> -> memref<16x1280xf32, #tpu.memory_space<vmem>>
    %dma_start3A_31 = arith.constant 0 : i32
    %dma_start3A_32 = tpu.memref_slice %arg3[%dma_start3A_31, %mul3A_28] : memref<16x320000xf32, #tpu.memory_space<hbm>> -> memref<16x1280xf32, #tpu.memory_space<hbm>>
    %dma_start3A_33 = arith.constant 0 : i32
    %dma_start3A_34 = arith.constant 0 : i32
    %dma_start3A_35 = tpu.memref_slice %arg5[%dma_start3A_33, %dma_start3A_34] : memref<17x1280xf32, #tpu.memory_space<vmem>> -> memref<16x1280xf32, #tpu.memory_space<vmem>>
    %dma_start3A_36 = arith.constant 0 : i32
    %dma_start3A_37 = tpu.memref_slice %arg3[%dma_start3A_36, %mul3A_28] : memref<16x320000xf32, #tpu.memory_space<hbm>> -> memref<16x1280xf32, #tpu.memory_space<hbm>>
    tpu.enqueue_dma source(%dma_start3A_37 : memref<16x1280xf32, #tpu.memory_space<hbm>>) target(%dma_start3A_35 : memref<16x1280xf32, #tpu.memory_space<vmem>>) target_semaphore(%arg10 : memref<!tpu.dma_semaphore, #tpu.memory_space<semaphore_mem>>)
    %mul3A_38 = arith.constant 128 : i32
    %mul3A_39 = arith.muli %mul3A_28, %mul3A_38 : i32
    %dma_start3A_40 = tpu.memref_slice %arg2[%mul3A_39] : memref<40960000xf32, #tpu.memory_space<hbm>> -> memref<163840xf32, #tpu.memory_space<hbm>>
    %dma_start3A_41 = arith.constant 0 : i32
    %dma_start3A_42 = tpu.memref_slice %dma_start3A_40[%dma_start3A_41] : memref<163840xf32, #tpu.memory_space<hbm>> -> memref<163840xf32, #tpu.memory_space<hbm>>
    tpu.enqueue_indirect_dma source(%dma_start3A_42 : memref<163840xf32, #tpu.memory_space<hbm>>) target(%arg7 : memref<1280xf32, #tpu.memory_space<vmem>>) offsets(%arg9 : memref<1280xi32, #tpu.memory_space<vmem>>) semaphore(%arg12 : memref<!tpu.dma_semaphore, #tpu.memory_space<semaphore_mem>>)
    %scan3A = arith.constant 0 : i32
    %scan3A_43 = arith.constant 0 : i32
    %scan3A_44 = arith.constant 4 : i32
    %scan3A_45 = arith.addi %scan3A_43, %scan3A_44 : i32
    %scan3A_46 = arith.constant 1 : i32
    scf.for %scan3A_59 = %scan3A_43 to %scan3A_45 step %scan3A_46  : i32 {
      %mul3A_60 = arith.constant 2 : i32
      %mul3A_61 = arith.muli %mul3A_60, %scan3A_59 : i32
      %add3A_62 = arith.constant 0 : i32
      %add3A_63 = arith.addi %mul3A_61, %add3A_62 : i32
      %add3A_64 = arith.constant 1 : i32
      %add3A_65 = arith.addi %add3A_63, %add3A_64 : i32
      %lt3A = arith.cmpi slt, %add3A_65, %select_n3A : i32
      %convert_element_type3A = arith.extui %lt3A : i1 to i32
      %cond3A = arith.constant 0 : i32
      %cond3A_66 = arith.cmpi ne, %convert_element_type3A, %cond3A : i32
      scf.if %cond3A_66 {
        %ge3A = arith.constant 1 : i32
        %ge3A_85 = arith.cmpi sge, %add3A_63, %ge3A : i32
        %convert_element_type3A_86 = arith.extui %ge3A_85 : i1 to i32
        %cond3A_87 = arith.constant 0 : i32
        %cond3A_88 = arith.cmpi ne, %convert_element_type3A_86, %cond3A_87 : i32
        scf.if %cond3A_88 {
          %dma_wait3A_111 = arith.constant 0 : i32
          %dma_wait3A_112 = arith.constant 0 : i32
          %dma_wait3A_113 = tpu.memref_slice %arg4[%dma_wait3A_111, %dma_wait3A_112] : memref<17x320000xf32, #tpu.memory_space<hbm>> -> memref<17x1280xf32, #tpu.memory_space<hbm>>
          %dma_wait3A_114 = arith.constant 0 : i32
          %dma_wait3A_115 = arith.constant 0 : i32
          %dma_wait3A_116 = tpu.memref_slice %arg4[%dma_wait3A_114, %dma_wait3A_115] : memref<17x320000xf32, #tpu.memory_space<hbm>> -> memref<17x1280xf32, #tpu.memory_space<hbm>>
          tpu.wait_dma2 semaphore(%arg15 : memref<!tpu.dma_semaphore, #tpu.memory_space<semaphore_mem>>) src(%arg6 : memref<17x1280xf32, #tpu.memory_space<vmem>>) dst(%dma_wait3A_116 : memref<17x1280xf32, #tpu.memory_space<hbm>>)
        } else {
        }
        %add3A_89 = arith.constant 1 : i32
        %add3A_90 = arith.addi %add3A_63, %add3A_89 : i32
        %mul3A_91 = arith.constant 32 : i32
        %mul3A_92 = arith.muli %add3A_90, %mul3A_91 : i32
        %add3A_93 = arith.addi %add3A, %mul3A_92 : i32
        %mul3A_94 = arith.constant 1280 : i32
        %mul3A_95 = arith.muli %add3A_93, %mul3A_94 : i32
        %dma_start3A_96 = arith.constant 0 : i32
        %dma_start3A_97 = arith.constant 0 : i32
        %dma_start3A_98 = tpu.memref_slice %arg6[%dma_start3A_96, %dma_start3A_97] : memref<17x1280xf32, #tpu.memory_space<vmem>> -> memref<16x1280xf32, #tpu.memory_space<vmem>>
        %dma_start3A_99 = arith.constant 0 : i32
        %dma_start3A_100 = tpu.memref_slice %arg3[%dma_start3A_99, %mul3A_95] : memref<16x320000xf32, #tpu.memory_space<hbm>> -> memref<16x1280xf32, #tpu.memory_space<hbm>>
        %dma_start3A_101 = arith.constant 0 : i32
        %dma_start3A_102 = arith.constant 0 : i32
        %dma_start3A_103 = tpu.memref_slice %arg6[%dma_start3A_101, %dma_start3A_102] : memref<17x1280xf32, #tpu.memory_space<vmem>> -> memref<16x1280xf32, #tpu.memory_space<vmem>>
        %dma_start3A_104 = arith.constant 0 : i32
        %dma_start3A_105 = tpu.memref_slice %arg3[%dma_start3A_104, %mul3A_95] : memref<16x320000xf32, #tpu.memory_space<hbm>> -> memref<16x1280xf32, #tpu.memory_space<hbm>>
        tpu.enqueue_dma source(%dma_start3A_105 : memref<16x1280xf32, #tpu.memory_space<hbm>>) target(%dma_start3A_103 : memref<16x1280xf32, #tpu.memory_space<vmem>>) target_semaphore(%arg11 : memref<!tpu.dma_semaphore, #tpu.memory_space<semaphore_mem>>)
        %mul3A_106 = arith.constant 128 : i32
        %mul3A_107 = arith.muli %mul3A_95, %mul3A_106 : i32
        %dma_start3A_108 = tpu.memref_slice %arg2[%mul3A_107] : memref<40960000xf32, #tpu.memory_space<hbm>> -> memref<163840xf32, #tpu.memory_space<hbm>>
        %dma_start3A_109 = arith.constant 0 : i32
        %dma_start3A_110 = tpu.memref_slice %dma_start3A_108[%dma_start3A_109] : memref<163840xf32, #tpu.memory_space<hbm>> -> memref<163840xf32, #tpu.memory_space<hbm>>
        tpu.enqueue_indirect_dma source(%dma_start3A_110 : memref<163840xf32, #tpu.memory_space<hbm>>) target(%arg8 : memref<1280xf32, #tpu.memory_space<vmem>>) offsets(%arg9 : memref<1280xi32, #tpu.memory_space<vmem>>) semaphore(%arg13 : memref<!tpu.dma_semaphore, #tpu.memory_space<semaphore_mem>>)
      } else {
      }
      %lt3A_67 = arith.cmpi slt, %add3A_63, %select_n3A : i32
      %convert_element_type3A_68 = arith.extui %lt3A_67 : i1 to i32
      %cond3A_69 = arith.constant 0 : i32
      %cond3A_70 = arith.cmpi ne, %convert_element_type3A_68, %cond3A_69 : i32
      scf.if %cond3A_70 {
        %dma_wait3A_85 = arith.constant 0 : i32
        %dma_wait3A_86 = arith.constant 0 : i32
        %dma_wait3A_87 = tpu.memref_slice %arg5[%dma_wait3A_85, %dma_wait3A_86] : memref<17x1280xf32, #tpu.memory_space<vmem>> -> memref<16x1280xf32, #tpu.memory_space<vmem>>
        %dma_wait3A_88 = arith.constant 0 : i32
        %dma_wait3A_89 = arith.constant 0 : i32
        %dma_wait3A_90 = tpu.memref_slice %arg3[%dma_wait3A_88, %dma_wait3A_89] : memref<16x320000xf32, #tpu.memory_space<hbm>> -> memref<16x1280xf32, #tpu.memory_space<hbm>>
        %dma_wait3A_91 = arith.constant 0 : i32
        %dma_wait3A_92 = arith.constant 0 : i32
        %dma_wait3A_93 = tpu.memref_slice %arg5[%dma_wait3A_91, %dma_wait3A_92] : memref<17x1280xf32, #tpu.memory_space<vmem>> -> memref<16x1280xf32, #tpu.memory_space<vmem>>
        %dma_wait3A_94 = arith.constant 0 : i32
        %dma_wait3A_95 = arith.constant 0 : i32
        %dma_wait3A_96 = tpu.memref_slice %arg3[%dma_wait3A_94, %dma_wait3A_95] : memref<16x320000xf32, #tpu.memory_space<hbm>> -> memref<16x1280xf32, #tpu.memory_space<hbm>>
        tpu.wait_dma2 semaphore(%arg10 : memref<!tpu.dma_semaphore, #tpu.memory_space<semaphore_mem>>) src(%dma_wait3A_96 : memref<16x1280xf32, #tpu.memory_space<hbm>>) dst(%dma_wait3A_93 : memref<16x1280xf32, #tpu.memory_space<vmem>>)
        %dma_wait3A_97 = arith.constant 0 : i32
        %dma_wait3A_98 = tpu.memref_slice %arg2[%dma_wait3A_97] : memref<40960000xf32, #tpu.memory_space<hbm>> -> memref<163840xf32, #tpu.memory_space<hbm>>
        %dma_wait3A_99 = arith.constant 0 : i32
        %dma_wait3A_100 = tpu.memref_slice %dma_wait3A_98[%dma_wait3A_99] : memref<163840xf32, #tpu.memory_space<hbm>> -> memref<163840xf32, #tpu.memory_space<hbm>>
        tpu.wait_indirect_dma semaphore(%arg12 : memref<!tpu.dma_semaphore, #tpu.memory_space<semaphore_mem>>) src(%dma_wait3A_100 : memref<163840xf32, #tpu.memory_space<hbm>>) dst(%arg7 : memref<1280xf32, #tpu.memory_space<vmem>>)
        %parallel_loop3A_101 = arith.constant 0 : i32
        %parallel_loop3A_102 = arith.constant 80 : i32
        %parallel_loop3A_103 = arith.constant 1 : i32
        scf.for %parallel_loop3A_113 = %parallel_loop3A_101 to %parallel_loop3A_102 step %parallel_loop3A_103  : i32 {
          %parallel_loop3A_114 = arith.constant 16 : i32
          %parallel_loop3A_115 = arith.muli %parallel_loop3A_113, %parallel_loop3A_114 : i32
          %parallel_loop3A_116 = arith.index_cast %parallel_loop3A_115 : i32 to index
          %parallel_loop3A_117 = tpu.vector_load %arg7[%parallel_loop3A_116] {strides = array<i32>} : memref<1280xf32, #tpu.memory_space<vmem>>, vector<16xf32>,
          %parallel_loop3A_118 = arith.constant 16 : i32
          %parallel_loop3A_119 = arith.muli %parallel_loop3A_113, %parallel_loop3A_118 : i32
          %parallel_loop3A_120 = arith.constant 16 : i32
          %parallel_loop3A_121 = arith.index_cast %parallel_loop3A_120 : i32 to index
          %parallel_loop3A_122 = arith.index_cast %parallel_loop3A_119 : i32 to index
          %parallel_loop3A_123 = tpu.vector_load %arg5[%parallel_loop3A_121, %parallel_loop3A_122] {strides = array<i32>} : memref<17x1280xf32, #tpu.memory_space<vmem>>, vector<16xf32>,
          tpu.vector_store %arg5[%parallel_loop3A_121, %parallel_loop3A_122], %parallel_loop3A_117 {strides = array<i32>} : memref<17x1280xf32, #tpu.memory_space<vmem>>, vector<16xf32>,
        } {sc.loop_unroll_factor = 8 : i64, sc.parallel_access}
        %mul3A_104 = arith.constant 32 : i32
        %mul3A_105 = arith.muli %add3A_63, %mul3A_104 : i32
        %add3A_106 = arith.addi %add3A, %mul3A_105 : i32
        %mul3A_107 = arith.constant 1280 : i32
        %mul3A_108 = arith.muli %add3A_106, %mul3A_107 : i32
        %dma_start3A_109 = arith.constant 0 : i32
        %dma_start3A_110 = tpu.memref_slice %arg4[%dma_start3A_109, %mul3A_108] : memref<17x320000xf32, #tpu.memory_space<hbm>> -> memref<17x1280xf32, #tpu.memory_space<hbm>>
        %dma_start3A_111 = arith.constant 0 : i32
        %dma_start3A_112 = tpu.memref_slice %arg4[%dma_start3A_111, %mul3A_108] : memref<17x320000xf32, #tpu.memory_space<hbm>> -> memref<17x1280xf32, #tpu.memory_space<hbm>>
        tpu.enqueue_dma source(%arg5 : memref<17x1280xf32, #tpu.memory_space<vmem>>) target(%dma_start3A_112 : memref<17x1280xf32, #tpu.memory_space<hbm>>) target_semaphore(%arg14 : memref<!tpu.dma_semaphore, #tpu.memory_space<semaphore_mem>>)
      } else {
      }
      %mul3A_71 = arith.constant 2 : i32
      %mul3A_72 = arith.muli %mul3A_71, %scan3A_59 : i32
      %add3A_73 = arith.constant 1 : i32
      %add3A_74 = arith.addi %mul3A_72, %add3A_73 : i32
      %add3A_75 = arith.constant 1 : i32
      %add3A_76 = arith.addi %add3A_74, %add3A_75 : i32
      %lt3A_77 = arith.cmpi slt, %add3A_76, %select_n3A : i32
      %convert_element_type3A_78 = arith.extui %lt3A_77 : i1 to i32
      %cond3A_79 = arith.constant 0 : i32
      %cond3A_80 = arith.cmpi ne, %convert_element_type3A_78, %cond3A_79 : i32
      scf.if %cond3A_80 {
        %ge3A = arith.constant 1 : i32
        %ge3A_85 = arith.cmpi sge, %add3A_74, %ge3A : i32
        %convert_element_type3A_86 = arith.extui %ge3A_85 : i1 to i32
        %cond3A_87 = arith.constant 0 : i32
        %cond3A_88 = arith.cmpi ne, %convert_element_type3A_86, %cond3A_87 : i32
        scf.if %cond3A_88 {
          %dma_wait3A_111 = arith.constant 0 : i32
          %dma_wait3A_112 = arith.constant 0 : i32
          %dma_wait3A_113 = tpu.memref_slice %arg4[%dma_wait3A_111, %dma_wait3A_112] : memref<17x320000xf32, #tpu.memory_space<hbm>> -> memref<17x1280xf32, #tpu.memory_space<hbm>>
          %dma_wait3A_114 = arith.constant 0 : i32
          %dma_wait3A_115 = arith.constant 0 : i32
          %dma_wait3A_116 = tpu.memref_slice %arg4[%dma_wait3A_114, %dma_wait3A_115] : memref<17x320000xf32, #tpu.memory_space<hbm>> -> memref<17x1280xf32, #tpu.memory_space<hbm>>
          tpu.wait_dma2 semaphore(%arg14 : memref<!tpu.dma_semaphore, #tpu.memory_space<semaphore_mem>>) src(%arg5 : memref<17x1280xf32, #tpu.memory_space<vmem>>) dst(%dma_wait3A_116 : memref<17x1280xf32, #tpu.memory_space<hbm>>)
        } else {
        }
        %add3A_89 = arith.constant 1 : i32
        %add3A_90 = arith.addi %add3A_74, %add3A_89 : i32
        %mul3A_91 = arith.constant 32 : i32
        %mul3A_92 = arith.muli %add3A_90, %mul3A_91 : i32
        %add3A_93 = arith.addi %add3A, %mul3A_92 : i32
        %mul3A_94 = arith.constant 1280 : i32
        %mul3A_95 = arith.muli %add3A_93, %mul3A_94 : i32
        %dma_start3A_96 = arith.constant 0 : i32
        %dma_start3A_97 = arith.constant 0 : i32
        %dma_start3A_98 = tpu.memref_slice %arg5[%dma_start3A_96, %dma_start3A_97] : memref<17x1280xf32, #tpu.memory_space<vmem>> -> memref<16x1280xf32, #tpu.memory_space<vmem>>
        %dma_start3A_99 = arith.constant 0 : i32
        %dma_start3A_100 = tpu.memref_slice %arg3[%dma_start3A_99, %mul3A_95] : memref<16x320000xf32, #tpu.memory_space<hbm>> -> memref<16x1280xf32, #tpu.memory_space<hbm>>
        %dma_start3A_101 = arith.constant 0 : i32
        %dma_start3A_102 = arith.constant 0 : i32
        %dma_start3A_103 = tpu.memref_slice %arg5[%dma_start3A_101, %dma_start3A_102] : memref<17x1280xf32, #tpu.memory_space<vmem>> -> memref<16x1280xf32, #tpu.memory_space<vmem>>
        %dma_start3A_104 = arith.constant 0 : i32
        %dma_start3A_105 = tpu.memref_slice %arg3[%dma_start3A_104, %mul3A_95] : memref<16x320000xf32, #tpu.memory_space<hbm>> -> memref<16x1280xf32, #tpu.memory_space<hbm>>
        tpu.enqueue_dma source(%dma_start3A_105 : memref<16x1280xf32, #tpu.memory_space<hbm>>) target(%dma_start3A_103 : memref<16x1280xf32, #tpu.memory_space<vmem>>) target_semaphore(%arg10 : memref<!tpu.dma_semaphore, #tpu.memory_space<semaphore_mem>>)
        %mul3A_106 = arith.constant 128 : i32
        %mul3A_107 = arith.muli %mul3A_95, %mul3A_106 : i32
        %dma_start3A_108 = tpu.memref_slice %arg2[%mul3A_107] : memref<40960000xf32, #tpu.memory_space<hbm>> -> memref<163840xf32, #tpu.memory_space<hbm>>
        %dma_start3A_109 = arith.constant 0 : i32
        %dma_start3A_110 = tpu.memref_slice %dma_start3A_108[%dma_start3A_109] : memref<163840xf32, #tpu.memory_space<hbm>> -> memref<163840xf32, #tpu.memory_space<hbm>>
        tpu.enqueue_indirect_dma source(%dma_start3A_110 : memref<163840xf32, #tpu.memory_space<hbm>>) target(%arg7 : memref<1280xf32, #tpu.memory_space<vmem>>) offsets(%arg9 : memref<1280xi32, #tpu.memory_space<vmem>>) semaphore(%arg12 : memref<!tpu.dma_semaphore, #tpu.memory_space<semaphore_mem>>)
      } else {
      }
      %lt3A_81 = arith.cmpi slt, %add3A_74, %select_n3A : i32
      %convert_element_type3A_82 = arith.extui %lt3A_81 : i1 to i32
      %cond3A_83 = arith.constant 0 : i32
      %cond3A_84 = arith.cmpi ne, %convert_element_type3A_82, %cond3A_83 : i32
      scf.if %cond3A_84 {
        %dma_wait3A_85 = arith.constant 0 : i32
        %dma_wait3A_86 = arith.constant 0 : i32
        %dma_wait3A_87 = tpu.memref_slice %arg6[%dma_wait3A_85, %dma_wait3A_86] : memref<17x1280xf32, #tpu.memory_space<vmem>> -> memref<16x1280xf32, #tpu.memory_space<vmem>>
        %dma_wait3A_88 = arith.constant 0 : i32
        %dma_wait3A_89 = arith.constant 0 : i32
        %dma_wait3A_90 = tpu.memref_slice %arg3[%dma_wait3A_88, %dma_wait3A_89] : memref<16x320000xf32, #tpu.memory_space<hbm>> -> memref<16x1280xf32, #tpu.memory_space<hbm>>
        %dma_wait3A_91 = arith.constant 0 : i32
        %dma_wait3A_92 = arith.constant 0 : i32
        %dma_wait3A_93 = tpu.memref_slice %arg6[%dma_wait3A_91, %dma_wait3A_92] : memref<17x1280xf32, #tpu.memory_space<vmem>> -> memref<16x1280xf32, #tpu.memory_space<vmem>>
        %dma_wait3A_94 = arith.constant 0 : i32
        %dma_wait3A_95 = arith.constant 0 : i32
        %dma_wait3A_96 = tpu.memref_slice %arg3[%dma_wait3A_94, %dma_wait3A_95] : memref<16x320000xf32, #tpu.memory_space<hbm>> -> memref<16x1280xf32, #tpu.memory_space<hbm>>
        tpu.wait_dma2 semaphore(%arg11 : memref<!tpu.dma_semaphore, #tpu.memory_space<semaphore_mem>>) src(%dma_wait3A_96 : memref<16x1280xf32, #tpu.memory_space<hbm>>) dst(%dma_wait3A_93 : memref<16x1280xf32, #tpu.memory_space<vmem>>)
        %dma_wait3A_97 = arith.constant 0 : i32
        %dma_wait3A_98 = tpu.memref_slice %arg2[%dma_wait3A_97] : memref<40960000xf32, #tpu.memory_space<hbm>> -> memref<163840xf32, #tpu.memory_space<hbm>>
        %dma_wait3A_99 = arith.constant 0 : i32
        %dma_wait3A_100 = tpu.memref_slice %dma_wait3A_98[%dma_wait3A_99] : memref<163840xf32, #tpu.memory_space<hbm>> -> memref<163840xf32, #tpu.memory_space<hbm>>
        tpu.wait_indirect_dma semaphore(%arg13 : memref<!tpu.dma_semaphore, #tpu.memory_space<semaphore_mem>>) src(%dma_wait3A_100 : memref<163840xf32, #tpu.memory_space<hbm>>) dst(%arg8 : memref<1280xf32, #tpu.memory_space<vmem>>)
        %parallel_loop3A_101 = arith.constant 0 : i32
        %parallel_loop3A_102 = arith.constant 80 : i32
        %parallel_loop3A_103 = arith.constant 1 : i32
        scf.for %parallel_loop3A_113 = %parallel_loop3A_101 to %parallel_loop3A_102 step %parallel_loop3A_103  : i32 {
          %parallel_loop3A_114 = arith.constant 16 : i32
          %parallel_loop3A_115 = arith.muli %parallel_loop3A_113, %parallel_loop3A_114 : i32
          %parallel_loop3A_116 = arith.index_cast %parallel_loop3A_115 : i32 to index
          %parallel_loop3A_117 = tpu.vector_load %arg8[%parallel_loop3A_116] {strides = array<i32>} : memref<1280xf32, #tpu.memory_space<vmem>>, vector<16xf32>,
          %parallel_loop3A_118 = arith.constant 16 : i32
          %parallel_loop3A_119 = arith.muli %parallel_loop3A_113, %parallel_loop3A_118 : i32
          %parallel_loop3A_120 = arith.constant 16 : i32
          %parallel_loop3A_121 = arith.index_cast %parallel_loop3A_120 : i32 to index
          %parallel_loop3A_122 = arith.index_cast %parallel_loop3A_119 : i32 to index
          %parallel_loop3A_123 = tpu.vector_load %arg6[%parallel_loop3A_121, %parallel_loop3A_122] {strides = array<i32>} : memref<17x1280xf32, #tpu.memory_space<vmem>>, vector<16xf32>,
          tpu.vector_store %arg6[%parallel_loop3A_121, %parallel_loop3A_122], %parallel_loop3A_117 {strides = array<i32>} : memref<17x1280xf32, #tpu.memory_space<vmem>>, vector<16xf32>,
        } {sc.loop_unroll_factor = 8 : i64, sc.parallel_access}
        %mul3A_104 = arith.constant 32 : i32
        %mul3A_105 = arith.muli %add3A_74, %mul3A_104 : i32
        %add3A_106 = arith.addi %add3A, %mul3A_105 : i32
        %mul3A_107 = arith.constant 1280 : i32
        %mul3A_108 = arith.muli %add3A_106, %mul3A_107 : i32
        %dma_start3A_109 = arith.constant 0 : i32
        %dma_start3A_110 = tpu.memref_slice %arg4[%dma_start3A_109, %mul3A_108] : memref<17x320000xf32, #tpu.memory_space<hbm>> -> memref<17x1280xf32, #tpu.memory_space<hbm>>
        %dma_start3A_111 = arith.constant 0 : i32
        %dma_start3A_112 = tpu.memref_slice %arg4[%dma_start3A_111, %mul3A_108] : memref<17x320000xf32, #tpu.memory_space<hbm>> -> memref<17x1280xf32, #tpu.memory_space<hbm>>
        tpu.enqueue_dma source(%arg6 : memref<17x1280xf32, #tpu.memory_space<vmem>>) target(%dma_start3A_112 : memref<17x1280xf32, #tpu.memory_space<hbm>>) target_semaphore(%arg15 : memref<!tpu.dma_semaphore, #tpu.memory_space<semaphore_mem>>)
      } else {
      }
    }
    %scan3A_47 = arith.constant 4 : i32
    %dma_wait3A = arith.constant 0 : i32
    %dma_wait3A_48 = arith.constant 0 : i32
    %dma_wait3A_49 = tpu.memref_slice %arg4[%dma_wait3A, %dma_wait3A_48] : memref<17x320000xf32, #tpu.memory_space<hbm>> -> memref<17x1280xf32, #tpu.memory_space<hbm>>
    %dma_wait3A_50 = arith.constant 0 : i32
    %dma_wait3A_51 = arith.constant 0 : i32
    %dma_wait3A_52 = tpu.memref_slice %arg4[%dma_wait3A_50, %dma_wait3A_51] : memref<17x320000xf32, #tpu.memory_space<hbm>> -> memref<17x1280xf32, #tpu.memory_space<hbm>>
    tpu.wait_dma2 semaphore(%arg14 : memref<!tpu.dma_semaphore, #tpu.memory_space<semaphore_mem>>) src(%arg5 : memref<17x1280xf32, #tpu.memory_space<vmem>>) dst(%dma_wait3A_52 : memref<17x1280xf32, #tpu.memory_space<hbm>>)
    %dma_wait3A_53 = arith.constant 0 : i32
    %dma_wait3A_54 = arith.constant 0 : i32
    %dma_wait3A_55 = tpu.memref_slice %arg4[%dma_wait3A_53, %dma_wait3A_54] : memref<17x320000xf32, #tpu.memory_space<hbm>> -> memref<17x1280xf32, #tpu.memory_space<hbm>>
    %dma_wait3A_56 = arith.constant 0 : i32
    %dma_wait3A_57 = arith.constant 0 : i32
    %dma_wait3A_58 = tpu.memref_slice %arg4[%dma_wait3A_56, %dma_wait3A_57] : memref<17x320000xf32, #tpu.memory_space<hbm>> -> memref<17x1280xf32, #tpu.memory_space<hbm>>
    tpu.wait_dma2 semaphore(%arg15 : memref<!tpu.dma_semaphore, #tpu.memory_space<semaphore_mem>>) src(%arg6 : memref<17x1280xf32, #tpu.memory_space<vmem>>) dst(%dma_wait3A_58 : memref<17x1280xf32, #tpu.memory_space<hbm>>)
    return
  }
}

</mosaic_0001>

<sc_bundles>
// kernel: kernel.3.cloned.1.call-start
scs
__scs_entry_jumppad:
0x0: {  	(pc) =	sbr.rel $0x88, $3  }
0x1: {  	(tag) =	ssettag $0x0;
	lr =	simm.s32 $0x1  }
0x2: {  	[smem:$0x3F9F] =	sst lr;
	_ =	strace $0xD0000000  }
0x3: {  	_ = 	snop  }
0x4: {  	_ = 	snop  }
0x5: {  	_ = 	snop  }
0x6: {  	_ = 	snop  }
0x7: {  	_ = 	snop  }
__scs_overlays_trampoline_lowered:
0x8: {  	[smem:$0x3FAE] =	sst s0  }
0x9: {  	[smem:$0x3FAF] =	sst s1  }
0xa: {  	[smem:$0x3FB0] =	sst s2  }
0xb: {  	[smem:$0x3FB1] =	sst s3  }
0xc: {  	[smem:$0x3FB2] =	sst s4  }
0xd: {  	[smem:$0x3FB3] =	sst s5  }
0xe: {  	[smem:$0x3FB4] =	sst s6  }
0xf: {  	[smem:$0x3FB5] =	sst s7  }
0x10: {  	[smem:$0x3FB6] =	sst s8  }
0x11: {  	[smem:$0x3FB7] =	sst s9;
	s0 =	simm.s32 @!p0 $0x0  }
0x12: {  	s1 =	sld [smem:$0x3F9D];
	s0 =	simm.s32 @p0 $0x1  }
0x13: {  	[smem:$0x3FB8] =	sst s0;
	s0 =	simm.s32 @!p1 $0x0  }
0x14: {  	s2 =	sld [smem:$0x3F9C];
	s0 =	simm.s32 @p1 $0x1  }
0x15: {  	[smem:$0x3FB9] =	sst s0;
	s0 =	simm.s32 @!p2 $0x0  }
0x16: {  	s3 =	sld [smem:$0x3FDB];
	s0 =	simm.s32 @p2 $0x1  }
0x17: {  	s4 =	simm.s32 $0x1BF5;
	[smem:$0x3FBB] =	sst s0  }
0x18: {  	s0 =	sld [smem:$0x3F9E];
	_ =	swait.ge [sflag:s4], $0x0  }
0x19: {  	s7 =	sld [smem:$0x3F9F]  }
0x1a: {  	s8 =	sadd.s32 $0xFFFFE003, lr  }
0x1b: {  	s9 =	sadd.s32 $0xFFFFFEF7, lr;
	s5 =	simm.s32 $0xFFFFFFFF;
	p2 =	slt.u32 s8, $0xFFFFF086  }
0x1c: {  	p1 =	slt.u32 s9, $0xF7A;
	s5 =	simm.s32 @!p2 $0x0  }
0x1d: {  	s5 =	simm.s32 @p1 $0x1;
	p0 =	seq.s32 s7, s2  }
0x1e: {  	s7 =	smul.u32 @!p0 $0xF7A, s2;
	p2 =	seq.s32 @!p0 s5, $0x0  }
0x1f: {  	s9 =	smul.u32 $0xF7A, s1;
	s8 =	simm.s32 @!p0 $0x1BF5;
	p2 =	por !p2, p0  }
0x20: {  	[sflag:s8] =	ssyncset.s32 @!p0 $0xFFFFF086;
	s6 =	sadd.s32 @!p0 s3, s7;
	s7 =	simm.s32 @!p0 $0x108  }
0x21: {  	s3 =	sadd.s32 s3, s9;
	s6 =	sadd.s32 @!p0 $0x88, s6;
	s7 =	simm.s32 @p2 $0x1082  }
0x22: {  	[simem:s7], [sflag:s8] =	dma.local @!p0 [hbm:s6], $0xF7A  }
0x23: {  	s9 =	sor.u32 $0xD0000000, s2;
	s6 =	simm.s32 $0x108;
	_ =	swait.ge @!p0 [sflag:s8], $0x0  }
0x24: {  	s3 =	sadd.s32 $0x88, s3;
	s6 =	simm.s32 @!p1 $0x1082;
	[sflag:s4] =	ssyncset.s32 $0xFFFFF086  }
0x25: {  	[simem:s6], [sflag:s4] =	dma.local [hbm:s3], $0xF7A  }
0x26: {  	[smem:$0x3F9F] =	sst s1;
	(tag) =	ssettag s2;
	_ =	strace s9  }
0x27: {  	s1 =	sld [smem:$0x3FAF]  }
0x28: {  	s2 =	sld [smem:$0x3FB0]  }
0x29: {  	s4 =	sld [smem:$0x3FB2]  }
0x2a: {  	p0 =	seq.s32 s5, $0x0;
	s5 =	sld [smem:$0x3FB3]  }
0x2b: {  	s6 =	sld [smem:$0x3FB4]  }
0x2c: {  	s7 =	sld [smem:$0x3FB5]  }
0x2d: {  	s3 =	simm.s32 $0x108;
	s8 =	sld [smem:$0x3FB6]  }
0x2e: {  	s3 =	simm.s32 @!p0 $0x1082;
	s9 =	sld [smem:$0x3FB7]  }
0x2f: {  	lr =	sadd.s32 s0, s3;
	s0 =	sld [smem:$0x3FAE]  }
0x30: {  	s3 =	sld [smem:$0x3FB1]  }
0x31: {  	[smem:$0x3FBA] =	sst s10  }
0x32: {  	s10 =	sld [smem:$0x3FB8];
	_ =	sdelay $0x3  }
0x33: {  	p0 =	seq.s32 s10, $0x1;
	s10 =	sld [smem:$0x3FBA];
	_ =	sdelay $0x3  }
0x34: {  	[smem:$0x3FBA] =	sst s10  }
0x35: {  	s10 =	sld [smem:$0x3FB9];
	_ =	sdelay $0x3  }
0x36: {  	p1 =	seq.s32 s10, $0x1;
	s10 =	sld [smem:$0x3FBA];
	_ =	sdelay $0x3  }
0x37: {  	[smem:$0x3FBA] =	sst s10  }
0x38: {  	s10 =	sld [smem:$0x3FBB]  }
0x39: {  	_ = 	snop;
	(pc) =	sbr.ind lr, $3  }
0x3a: {  	_ = 	snop  }
0x3b: {  	_ = 	snop  }
0x3c: {  	p2 =	seq.s32 s10, $0x1;
	s10 =	sld [smem:$0x3FBA]  }
0x3d: {  	_ =	shalt  }
0x3e: {  	_ =	shalt  }
0x3f: {  	_ =	shalt  }
0x40: {  	_ =	shalt  }
0x41: {  	_ =	shalt  }
0x42: {  	_ =	shalt  }
0x43: {  	_ =	shalt  }
0x44: {  	_ =	shalt  }
0x45: {  	_ =	shalt  }
0x46: {  	_ =	shalt  }
0x47: {  	_ =	shalt  }
0x48: {  	_ =	shalt  }
0x49: {  	_ =	shalt  }
0x4a: {  	_ =	shalt  }
0x4b: {  	_ =	shalt  }
0x4c: {  	_ =	shalt  }
0x4d: {  	_ =	shalt  }
0x4e: {  	_ =	shalt  }
0x4f: {  	_ =	shalt  }
0x50: {  	_ =	shalt  }
0x51: {  	_ =	shalt  }
0x52: {  	_ =	shalt  }
0x53: {  	_ =	shalt  }
0x54: {  	_ =	shalt  }
0x55: {  	_ =	shalt  }
0x56: {  	_ =	shalt  }
0x57: {  	_ =	shalt  }
0x58: {  	_ =	shalt  }
0x59: {  	_ =	shalt  }
0x5a: {  	_ =	shalt  }
0x5b: {  	_ =	shalt  }
0x5c: {  	_ =	shalt  }
0x5d: {  	_ =	shalt  }
0x5e: {  	_ =	shalt  }
0x5f: {  	_ =	shalt  }
0x60: {  	_ =	shalt  }
0x61: {  	_ =	shalt  }
0x62: {  	_ =	shalt  }
0x63: {  	_ =	shalt  }
0x64: {  	_ =	shalt  }
0x65: {  	_ =	shalt  }
0x66: {  	_ =	shalt  }
0x67: {  	_ =	shalt  }
0x68: {  	_ =	shalt  }
0x69: {  	_ =	shalt  }
0x6a: {  	_ =	shalt  }
0x6b: {  	_ =	shalt  }
0x6c: {  	_ =	shalt  }
0x6d: {  	_ =	shalt  }
0x6e: {  	_ =	shalt  }
0x6f: {  	_ =	shalt  }
0x70: {  	_ =	shalt  }
0x71: {  	_ =	shalt  }
0x72: {  	_ =	shalt  }
0x73: {  	_ =	shalt  }
0x74: {  	_ =	shalt  }
0x75: {  	_ =	shalt  }
0x76: {  	_ =	shalt  }
0x77: {  	_ =	shalt  }
0x78: {  	_ =	shalt  }
0x79: {  	_ =	shalt  }
0x7a: {  	_ =	shalt  }
0x7b: {  	_ =	shalt  }
0x7c: {  	_ =	shalt  }
0x7d: {  	_ =	shalt  }
0x7e: {  	_ =	shalt  }
0x7f: {  	_ =	shalt  }
0x80: {  	_ =	shalt  }
0x81: {  	_ =	shalt  }
0x82: {  	_ =	shalt  }
0x83: {  	_ =	shalt  }
0x84: {  	_ =	shalt  }
0x85: {  	_ =	shalt  }
0x86: {  	_ =	shalt  }
0x87: {  	_ =	shalt  }
.Lfunc_end0:
.L_simem_size_0:
called_computation_lowered:
.L_overlay_start_0:
0x88: {  	s2 =	sld [smem:$0x3FD9]  }
0x89: {  	s3 =	sld [smem:$0x3FFE];
	_ =	sdelay $0x1  }
0x8a: {  	s1 =	srdreg.scid  }
0x8b: {  	s0 =	sand.u32 $0x1, s1  }
0x8c: {  	s18 =	sshll.u32 s0, $0xA;
	s2 =	sadd.s32 s3, s2  }
0x8d: {  	s2 =	sadd.s32 s2, s18  }
0x8e: {  	[smem:$0x3FC6] =	sst s2  }
0x8f: {  	_ = 	snop  }
0x90: {  	s2 =	sld [smem:$0x3FC9]  }
0x91: {  	s19 =	sld [smem:$0x3FC8]  }
0x92: {  	s4 =	sld [smem:$0x3FD0];
	(tm) =	ssettm $0x1  }
0x93: {  	s5 =	sld [smem:$0x3FFB];
	_ =	sdelay $0x3  }
0x94: {  	_ =	strace s5  }
0x95: {  	s5 =	sld [smem:$0x3FFC];
	_ =	sdelay $0x3  }
0x96: {  	_ =	strace s5  }
0x97: {  	s5 =	sld [smem:$0x3FFD];
	_ =	sdelay $0x3  }
0x98: {  	_ =	strace s5  }
0x99: {  	_ =	strace $0x8FFFFFFF  }
0x9a: {  	s20 =	sld [smem:$0x3FDB];
	_ =	sdelay $0x1  }
0x9b: {  	s6 =	simm.s32 $_scs_section_size  }
0x9c: {  	s7 =	simm.s32 $_size__tile_overlayer_lowered;
	s8 =	simm.s32 $_tile_overlayer_lowered  }
0x9d: {  	s23 =	simm.s32 $0x1BFF;
	s22 =	sshll.u32 s8, $0x1;
	s5 =	sadd.s32 s6, s20  }
0x9e: {  	s9 =	simm.s32 $0x0;
	s21 =	sshll.u32 s7, $0x1;
	s7 =	sadd.s32 s22, s5  }
0x9f: {  	[timem:s9], [sflag:s23] =	dma.local [hbm:s7], s21  }
0xa0: {  	_ =	swait.ge [sflag:s23], s21  }
0xa1: {  	s6 =	ssub.s32 $0x0, s21;
	[sflag:s23] =	ssyncset.done $0x0  }
0xa2: {  	[sflag:s23] =	ssyncadd.s32 s6;
	_ =	sdelay $0x1  }
0xa3: {  	s24 =	simm.s32 $0x1B8B  }
0xa4: {  	_ =	swait.ge [sflag:s24], $0x1  }
0xa5: {  	[sflag:s24] =	ssyncset.done $0x0  }
0xa6: {  	s25 =	simm.s32 $0x1B8E;
	[sflag:s24] =	ssyncadd.s32 $0xFFFFFFFF  }
0xa7: {  	s26 =	simm.s32 $execute0_lowered;
	[smem:$0x3FD2] =	sst s25  }
0xa8: {  	s6 =	sshll.u32 s26, $0x1;
	_ =	strace $0x80000046;
	[dreg:$0x1] =	wrdreg $0xFFFFFFFF  }
0xa9: {  	s28 =	simm.s32 $_size_execute0_lowered;
	s5 =	sadd.s32 s5, s6;
	[dreg:$0x0] =	wrdreg $0x0  }
0xaa: {  	s6 =	sshll.u32 s28, $0x1;
	[dreg:$0x2] =	wrdreg s5  }
0xab: {  	[dreg:$0x3] =	wrdreg s6  }
0xac: {  	[dreg:$0x4] =	wrdreg $0xC0  }
0xad: {  	_ =	task [dreg:s9], $0x5FFFF  }
0xae: {  	[dreg:$0x1] =	wrdreg $0xFFFFFFFF  }
0xaf: {  	[dreg:$0x0] =	wrdreg $0x60  }
0xb0: {  	[dreg:$0x2] =	wrdreg s2  }
0xb1: {  	[dreg:$0x3] =	wrdreg s19  }
0xb2: {  	[dreg:$0x4] =	wrdreg s4  }
0xb3: {  	[dreg:$0x5] =	wrdreg $0x9  }
0xb4: {  	_ =	task.clear_ibuf [dreg:s9], $0x6FFFF;
	_ =	strace $0x90000046  }
0xb5: {  	s29 =	simm.s32 $0x9;
	_ =	strace $0x80000048  }
0xb6: {  	_ =	swait.ge [sflag:s29], $0x1  }
0xb7: {  	[sflag:s29] =	ssyncadd.s32 $0xFFFFFFFF  }
0xb8: {  	_ =	strace $0x90000048  }
0xb9: {  	_ =	sfence  }
0xba: {  	s30 =	sld [smem:$0x0];
	_ =	sdelay $0x2  }
0xbb: {  	s31 =	sshll.u32 s1, $0xD;
	s1 =	sshrl.u32 s1, $0x2  }
0xbc: {  	s3 =	sand.u32 $0x4000, s31;
	s1 =	sadd.s32 s1, s30  }
0xbd: {  	s0 =	sor.u32 s3, s0;
	s1 =	sshll.u32 s1, $0x11  }
0xbe: {  	s0 =	sor.u32 s1, s0  }
0xbf: {  	s0 =	sadd.s32 $0x8F2B, s0  }
0xc0: {  	[sflag:s0] =	ssyncadd.remote.s32 $0x1  }
0xc1: {  	_ =	sfence.sel $0xFFFF  }
0xc2: {  	[dreg:$0x0] =	wrdreg $0xFFFFFFFF;
	(pc) =	sbr.abs _section_cstart, $3  }
0xc3: {  	[dreg:$0x1] =	wrdreg $0xFFFFFFFF  }
0xc4: {  	_ =	task.clear_ibuf [dreg:s9], $0x2FFFF;
	_ =	strace $0x9FFFFFFF  }
0xc5: {  	(tm) =	ssettm $0x7FFFFFFF  }
tec
execute0_lowered:
.L_overlay_start_1:
0x0: {  	(tag) =	ssettag $0x1  }
0x1: {  	s1 =	rddreg [dreg:$0x0]  }
0x2: {  	s3 =	rddreg [dreg:$0x1]  }
0x3: {  	s4 =	rddreg [dreg:$0x2]  }
0x4: {  	s0 =	rddreg [dreg:$0x3]  }
0x5: {  	s6 =	srdreg.scid;
	s2 =	stileid.u32  }
0x6: {  	s5 =	simm.s32 $0x0;
	s13 =	simm.s32 $0x500;
	s14 =	simm.s32 $0xFA00  }
0x7: {  	s15 =	simm.s32 $0xF000;
	s16 =	simm.s32 $0x1;
	s17 =	simm.s32 $0x3  }
0x8: {  	s18 =	simm.s32 $0x2;
	s7 =	sand.u32 $0x1, s6;
	s31 =	sshll.u32 s2, $0x1  }
0x9: {  	s19 =	simm.s32 $0x4;
	s20 =	simm.s32 $0x7800;
	s6 =	sor.u32 s7, s31  }
0xa: {  	s21 =	simm.s32 $0x5;
	s22 =	simm.s32 $0x6;
	s8 =	smul.u32 $0x500, s6  }
.Ltmp0:
0xb: {  	s23 =	simm.s32 $0x0;
	s7 =	ssub.s32 $0x2, s7;
	(pc) =	sbr.rel .LBB2_1-.Ltmp0, $4  }
0xc: {  	[smem:$0x7FF] =	sst s5;
	s9 =	sshrl.u32 s7, $0x1;
	s11 =	smul.u32 $0x5000, s6  }
0xd: {  	_ =	strace $0x80000047;
	s10 =	ssub.s32 $0x119, s6;
	s12 =	ssub.s32 s7, s9  }
0xe: {  	v0 =	vlaneseq.u32;
	s7 =	sshrl.u32 s10, $0x5;
	s8 =	sadd.s32 s3, s8;
	s9 =	sadd.s32 s1, s11  }
0xf: {  	v0 =	vmul.u32 $0x80, v0;
	s10 =	smax.u32 s12, $0x1;
	s11 =	simm.s32 $0x2800;
	s12 =	simm.s32 $0x271000  }
.LBB2_11:
0x10: {  	s23 =	sadd.s32 $0x1, s23  }
0x11: {  	_ =	swait.ge [sflag:s21], $0x7800;
	p0 =	sne.s32 s23, s10  }
.Ltmp1:
0x12: {  	[sflag:s21] =	ssyncset.done $0x0;
	(pc) =	sbr.rel @!p0 .LBB2_12-.Ltmp1, $4  }
0x13: {  	[sflag:s21] =	ssyncadd.s32 $0xFFFF8800  }
0x14: {  	_ =	swait.ge [sflag:s22], $0x7800  }
0x15: {  	[sflag:s22] =	ssyncset.done $0x0  }
0x16: {  	[sflag:s22] =	ssyncadd.s32 $0xFFFF8800  }
.LBB2_1:
0x17: {  	s24 =	simm.s32 $0x70  }
0x18: {  	s25 =	simm.s32 $0x10;
	s26 =	simm.s32 $0x60;
	s30 =	simm.s32 $0x20;
	v1 =	vmov s24  }
0x19: {  	s31 =	simm.s32 $0x30;
	s29 =	simm.s32 $0x0;
	v2 =	vmov s25;
	v3 =	vmov s26;
	v4 =	vmov s30  }
0x1a: {  	v5 =	vmov s31;
	s30 =	simm.s32 $0x40;
	v6 =	vmov s29;
	v1 =	vshll.u32 v1, $0x7  }
0x1b: {  	s31 =	simm.s32 $0x50;
	v3 =	vshll.u32 v3, $0x7;
	v7 =	vmov s30;
	v6 =	vshll.u32 v6, $0x7  }
0x1c: {  	v8 =	vmov s31;
	v2 =	vshll.u32 v2, $0x7;
	v3 =	vor.u32 v0, v3  }
0x1d: {  	v2 =	vor.u32 v0, v2;
	v9 =	vor.u32 $0x1, v3;
	v3 =	vshll.u32 v4, $0x7  }
0x1e: {  	v4 =	vshll.u32 v5, $0x7;
	v5 =	vor.u32 v0, v6;
	v6 =	vshll.u32 v7, $0x7  }
0x1f: {  	v7 =	vshll.u32 v8, $0x7;
	v8 =	vor.u32 v0, v3;
	v4 =	vor.u32 v0, v4  }
0x20: {  	s24 =	simm.s32 $0xFA40;
	v10 =	vor.u32 v0, v6;
	v7 =	vor.u32 v0, v7;
	v3 =	vor.u32 v0, v1  }
0x21: {  	[tilespmem:s24+$0x20] =	vst v9;
	v1 =	vor.u32 $0x1, v5;
	v6 =	vor.u32 $0x1, v2;
	v5 =	vor.u32 $0x1, v8  }
0x22: {  	s28 =	simm.s32 $0xF0;
	s26 =	simm.s32 $0x0;
	s25 =	simm.s32 $0xFA40;
	[tilespmem:s24+$0xFFFFFFC0] =	vst v1;
	v4 =	vor.u32 $0x1, v4;
	v2 =	vor.u32 $0x1, v10;
	v1 =	vor.u32 $0x1, v7  }
.LBB2_2:
0x23: {  	s29 =	sadd.s32 $0xFFFFFFA0, s28;
	s30 =	sadd.s32 $0xFFFFFFF0, s28;
	v7 =	vmov s28;
	s26 =	sadd.s32 $0x8, s26;
	[tilespmem:s24+$0xFFFFFFD0] =	vst v6;
	v3 =	vor.u32 $0x1, v3  }
0x24: {  	s31 =	sadd.s32 $0xFFFFFFC0, s28;
	v6 =	vmov s29;
	s29 =	sadd.s32 $0xFFFFFFB0, s28;
	v8 =	vmov s30;
	v7 =	vshll.u32 v7, $0x7;
	p0 =	slt.u32 s26, $0x48;
	[tilespmem:s24+$0xFFFFFFE0] =	vst v5  }
0x25: {  	s30 =	sadd.s32 $0xFFFFFF90, s28;
	v9 =	vmov s31;
	s31 =	sadd.s32 $0xFFFFFFE0, s28;
	v5 =	vmov s29;
	s29 =	sadd.s32 $0xFFFFFFD0, s28;
	v8 =	vshll.u32 v8, $0x7;
	[tilespmem:s24+$0xFFFFFFF0] =	vst v4  }
0x26: {  	v4 =	vmov s30;
	v10 =	vmov s29;
	v8 =	vor.u32 v0, v8;
	[tilespmem:s24+$0x0] =	vst v2  }
0x27: {  	v2 =	vshll.u32 v4, $0x7;
	v4 =	vmov s31;
	s24 =	sadd.s32 $0x80, s24;
	v8 =	vor.u32 $0x1, v8;
	[tilespmem:s25+$0x10] =	vst v1  }
0x28: {  	v5 =	vshll.u32 v5, $0x7;
	v1 =	vshll.u32 v6, $0x7;
	v6 =	vshll.u32 v9, $0x7;
	[tilespmem:s24+$0x20] =	vst v8  }
.Ltmp2:
0x29: {  	v2 =	vor.u32 v0, v2;
	v4 =	vshll.u32 v4, $0x7;
	v8 =	vshll.u32 v10, $0x7;
	[tilespmem:s25+$0x30] =	vst v3;
	s25 =	smov.u32 s24;
	(pc) =	sbr.rel @p0 .LBB2_2-.Ltmp2, $4  }
0x2a: {  	v5 =	vor.u32 v0, v5;
	v1 =	vor.u32 v0, v1;
	v9 =	vor.u32 v0, v6  }
0x2b: {  	v10 =	vor.u32 v0, v4;
	v8 =	vor.u32 v0, v8;
	v3 =	vor.u32 v0, v7  }
0x2c: {  	v2 =	vor.u32 $0x1, v2;
	v5 =	vor.u32 $0x1, v5;
	v6 =	vor.u32 $0x1, v1  }
0x2d: {  	s28 =	sadd.s32 $0x80, s28;
	v4 =	vor.u32 $0x1, v9;
	v1 =	vor.u32 $0x1, v10;
	[tilespmem:s24+$0xFFFFFFC0] =	vst v2;
	v2 =	vor.u32 $0x1, v8  }
0x2e: {  	[tilespmem:s24+$0xFFFFFFD0] =	vst v6  }
0x2f: {  	[tilespmem:s24+$0xFFFFFFE0] =	vst v5  }
0x30: {  	[tilespmem:s24+$0xFFFFFFF0] =	vst v4  }
0x31: {  	[tilespmem:s24+$0x0] =	vst v2  }
.Ltmp3:
0x32: {  	v2 =	vor.u32 $0x1, v3;
	[tilespmem:s25+$0x10] =	vst v1;
	(pc) =	sbr.rel .LBB2_4-.Ltmp3, $4  }
0x33: {  	s24 =	simm.s32 $0x0;
	[tilespmem:s25+$0x30] =	vst v2  }
0x34: {  	[tilespmem:s24], [sflag:$0x1] =	stream.strided.gather [hbm4b:s8+s11], $0x5000, s12, s11, $0x38;
	[tilespmem:$0xFF00] =	vst v63  }
0x35: {  	_ = 	snop  }
0x36: {  	[tilespmem:s15], [sflag:$0x3] =	stream.indirect.gather [hbm4b:s9+s13], $0x1, s14, s13, $0xb8;
	[tilespmem:$0xFF00] =	vst v63  }
.LBB2_10:
0x37: {  	s24 =	sadd.s32 $0x1, s24  }
0x38: {  	p0 =	sne.s32 s24, $0x4  }
.Ltmp4:
0x39: {  	_ = 	snop;
	(pc) =	sbr.rel @!p0 .LBB2_11-.Ltmp4, $1  }
0x3a: {  	_ =	sdelay $0x3  }
.LBB2_4:
0x3b: {  	s25 =	sshllo.u32 s24, $0x1  }
0x3c: {  	p0 =	sge.u32 s25, s7  }
0x3d: {  	s26 =	sshll.u32 @!p0 s25, $0x5  }
0x3e: {  	p1 =	seq.s32 @!p0 s24, $0x0;
	s26 =	sor.u32 @!p0 s6, s26  }
0x3f: {  	p1 =	por p1, p0;
	s29 =	smul.u32 @!p0 $0x500, s26  }
0x40: {  	s28 =	simm.s32 @!p1 $0x6;
	s26 =	smul.u32 @!p0 $0x5000, s26  }
0x41: {  	s30 =	simm.s32 @!p0 $0x271000;
	_ =	swait.ge @!p1 [sflag:s28], $0x7800  }
0x42: {  	s31 =	simm.s32 @!p0 $0x7800;
	[sflag:s28] =	ssyncset.done @!p1 $0x0;
	s26 =	sadd.s32 @!p0 s1, s26  }
0x43: {  	[sflag:s28] =	ssyncadd.s32 @!p1 $0xFFFF8800;
	s28 =	sadd.s32 @!p0 s3, s29;
	s29 =	simm.s32 @!p0 $0x2800  }
0x44: {  	[tilespmem:s31], [sflag:$0x2] =	stream.strided.gather @!p0 [hbm4b:s28+s29], $0x5000, s30, s29, $0x38;
	[tilespmem:$0xFF00] =	vst v63  }
0x45: {  	s28 =	simm.s32 @!p0 $0x500;
	s29 =	simm.s32 @!p0 $0xFA00;
	s30 =	simm.s32 @!p0 $0xF500  }
0x46: {  	[tilespmem:s30], [sflag:$0x4] =	stream.indirect.gather @!p0 [hbm4b:s26+s28], $0x1, s29, s28, $0xb8;
	[tilespmem:$0xFF00] =	vst v63  }
0x47: {  	_ =	swait.ge [sflag:s16], $0x5000  }
0x48: {  	[sflag:s16] =	ssyncset.done $0x0  }
0x49: {  	[sflag:s16] =	ssyncadd.s32 $0xFFFFB000  }
0x4a: {  	_ =	swait.ge [sflag:s17], $0x500  }
0x4b: {  	[sflag:s17] =	ssyncset.done $0x0  }
0x4c: {  	s30 =	simm.s32 $0xF040;
	[sflag:s17] =	ssyncadd.s32 $0xFFFFFB00  }
0x4d: {  	v4 =	vld [tilespmem:s30+$0x30]  }
0x4e: {  	v5 =	vld [tilespmem:s30+$0xFFFFFFD0]  }
0x4f: {  	v6 =	vld [tilespmem:s30+$0xFFFFFFE0]  }
0x50: {  	v3 =	vld [tilespmem:s30+$0xFFFFFFF0]  }
0x51: {  	s26 =	simm.s32 $0x5070;
	v1 =	vld [tilespmem:s30+$0x0]  }
0x52: {  	v2 =	vld [tilespmem:s30+$0x10];
	[tilespmem:s26+$0x0] =	vst v4  }
0x53: {  	[tilespmem:s26+$0xFFFFFFA0] =	vst v5;
	v4 =	vld [tilespmem:s30+$0x20]  }
0x54: {  	s28 =	sshll.u32 s24, $0x1;
	s29 =	simm.s32 $0x0;
	v5 =	vld [tilespmem:s30+$0xFFFFFFC0];
	[tilespmem:s26+$0xFFFFFFB0] =	vst v6;
	s30 =	simm.s32 $0xF0C0  }
.LBB2_5:
0x55: {  	v6 =	vld [tilespmem:s30+$0x30];
	s29 =	sadd.s32 $0x8, s29;
	[tilespmem:s26+$0xFFFFFFC0] =	vst v3  }
0x56: {  	v7 =	vld [tilespmem:s30+$0xFFFFFFD0];
	p1 =	slt.u32 s29, $0x48;
	[tilespmem:s26+$0xFFFFFFD0] =	vst v1  }
0x57: {  	v8 =	vld [tilespmem:s30+$0xFFFFFFE0];
	[tilespmem:s26+$0xFFFFFFE0] =	vst v2  }
.Ltmp5:
0x58: {  	v3 =	vld [tilespmem:s30+$0xFFFFFFF0];
	[tilespmem:s26+$0xFFFFFFF0] =	vst v4;
	(pc) =	sbr.rel @p1 .LBB2_5-.Ltmp5, $4  }
0x59: {  	v1 =	vld [tilespmem:s30+$0x0];
	[tilespmem:s26+$0xFFFFFF90] =	vst v5;
	s26 =	sadd.s32 $0x400, s26  }
0x5a: {  	v2 =	vld [tilespmem:s30+$0x10];
	[tilespmem:s26+$0x0] =	vst v6  }
0x5b: {  	[tilespmem:s26+$0xFFFFFFA0] =	vst v7;
	v4 =	vld [tilespmem:s30+$0x20]  }
0x5c: {  	v5 =	vld [tilespmem:s30+$0xFFFFFFC0];
	[tilespmem:s26+$0xFFFFFFB0] =	vst v8;
	s30 =	sadd.s32 $0x80, s30  }
0x5d: {  	[tilespmem:s26+$0xFFFFFFC0] =	vst v3;
	s29 =	sshll.u32 s24, $0x6  }
0x5e: {  	[tilespmem:s26+$0xFFFFFFD0] =	vst v1;
	s29 =	sor.u32 s6, s29  }
0x5f: {  	[tilespmem:s26+$0xFFFFFFE0] =	vst v2;
	s29 =	smul.u32 $0x500, s29  }
0x60: {  	[tilespmem:s26+$0xFFFFFFF0] =	vst v4  }
0x61: {  	[tilespmem:s26+$0xFFFFFF90] =	vst v5;
	s31 =	sadd.s32 s4, s29;
	s26 =	sadd.s32 $0x2, s28  }
0x62: {  	[hbm4b:s31+s11] =	stream.strided.scatter [tilespmem:s5], [sflag:$0x5], $0x7800, s12, s11, $0x38;
	[tilespmem:$0xFF00] =	vst v63  }
0x63: {  	p1 =	sge.u32 s26, s7  }
0x64: {  	s26 =	sshll.u32 @!p1 s26, $0x5  }
0x65: {  	s28 =	simm.s32 @!p1 $0x5;
	s26 =	sor.u32 @!p1 s6, s26  }
0x66: {  	_ =	swait.ge @!p1 [sflag:s28], $0x7800;
	s29 =	smul.u32 @!p1 $0x500, s26  }
0x67: {  	s30 =	simm.s32 @!p1 $0x271000;
	[sflag:s28] =	ssyncset.done @!p1 $0x0;
	s26 =	smul.u32 @!p1 $0x5000, s26  }
.Ltmp6:
0x68: {  	s31 =	simm.s32 @!p1 $0x0;
	[sflag:s28] =	ssyncadd.s32 @!p1 $0xFFFF8800;
	(pc) =	sbr.rel @p0 .LBB2_10-.Ltmp6, $4  }
0x69: {  	s28 =	sadd.s32 @!p1 s3, s29;
	s29 =	simm.s32 @!p1 $0x2800;
	s26 =	sadd.s32 @!p1 s1, s26  }
0x6a: {  	[tilespmem:s31], [sflag:$0x1] =	stream.strided.gather @!p1 [hbm4b:s28+s29], $0x5000, s30, s29, $0x38;
	[tilespmem:$0xFF00] =	vst v63  }
0x6b: {  	s28 =	simm.s32 @!p1 $0x500;
	s29 =	simm.s32 @!p1 $0xFA00;
	s30 =	simm.s32 @!p1 $0xF000  }
0x6c: {  	[tilespmem:s30], [sflag:$0x3] =	stream.indirect.gather @!p1 [hbm4b:s26+s28], $0x1, s29, s28, $0xb8;
	[tilespmem:$0xFF00] =	vst v63  }
0x6d: {  	_ =	swait.ge [sflag:s18], $0x5000  }
0x6e: {  	[sflag:s18] =	ssyncset.done $0x0  }
0x6f: {  	[sflag:s18] =	ssyncadd.s32 $0xFFFFB000  }
0x70: {  	_ =	swait.ge [sflag:s19], $0x500  }
0x71: {  	[sflag:s19] =	ssyncset.done $0x0  }
0x72: {  	s29 =	simm.s32 $0xF540;
	[sflag:s19] =	ssyncadd.s32 $0xFFFFFB00  }
0x73: {  	v4 =	vld [tilespmem:s29+$0x30]  }
0x74: {  	v5 =	vld [tilespmem:s29+$0xFFFFFFD0]  }
0x75: {  	v6 =	vld [tilespmem:s29+$0xFFFFFFE0]  }
0x76: {  	v3 =	vld [tilespmem:s29+$0xFFFFFFF0]  }
0x77: {  	s26 =	simm.s32 $0xC870;
	v1 =	vld [tilespmem:s29+$0x0]  }
0x78: {  	v2 =	vld [tilespmem:s29+$0x10];
	[tilespmem:s26+$0x0] =	vst v4  }
0x79: {  	[tilespmem:s26+$0xFFFFFFA0] =	vst v5;
	v4 =	vld [tilespmem:s29+$0x20]  }
0x7a: {  	s28 =	simm.s32 $0x0;
	v5 =	vld [tilespmem:s29+$0xFFFFFFC0];
	[tilespmem:s26+$0xFFFFFFB0] =	vst v6;
	s29 =	simm.s32 $0xF5C0  }
.LBB2_8:
0x7b: {  	v6 =	vld [tilespmem:s29+$0x30];
	s28 =	sadd.s32 $0x8, s28;
	[tilespmem:s26+$0xFFFFFFC0] =	vst v3  }
0x7c: {  	v7 =	vld [tilespmem:s29+$0xFFFFFFD0];
	p0 =	slt.u32 s28, $0x48;
	[tilespmem:s26+$0xFFFFFFD0] =	vst v1  }
0x7d: {  	v8 =	vld [tilespmem:s29+$0xFFFFFFE0];
	[tilespmem:s26+$0xFFFFFFE0] =	vst v2  }
.Ltmp7:
0x7e: {  	v3 =	vld [tilespmem:s29+$0xFFFFFFF0];
	[tilespmem:s26+$0xFFFFFFF0] =	vst v4;
	(pc) =	sbr.rel @p0 .LBB2_8-.Ltmp7, $4  }
0x7f: {  	v1 =	vld [tilespmem:s29+$0x0];
	[tilespmem:s26+$0xFFFFFF90] =	vst v5;
	s26 =	sadd.s32 $0x400, s26  }
0x80: {  	v2 =	vld [tilespmem:s29+$0x10];
	[tilespmem:s26+$0x0] =	vst v6  }
0x81: {  	[tilespmem:s26+$0xFFFFFFA0] =	vst v7;
	v4 =	vld [tilespmem:s29+$0x20]  }
0x82: {  	v5 =	vld [tilespmem:s29+$0xFFFFFFC0];
	[tilespmem:s26+$0xFFFFFFB0] =	vst v8;
	s29 =	sadd.s32 $0x80, s29  }
0x83: {  	[tilespmem:s26+$0xFFFFFFC0] =	vst v3;
	s25 =	sshll.u32 s25, $0x5  }
.Ltmp8:
0x84: {  	[tilespmem:s26+$0xFFFFFFD0] =	vst v1;
	s25 =	sor.u32 s6, s25;
	(pc) =	sbr.rel .LBB2_10-.Ltmp8, $4  }
0x85: {  	[tilespmem:s26+$0xFFFFFFE0] =	vst v2;
	s25 =	smul.u32 $0x500, s25  }
0x86: {  	[tilespmem:s26+$0xFFFFFFF0] =	vst v4  }
0x87: {  	[tilespmem:s26+$0xFFFFFF90] =	vst v5;
	s25 =	sadd.s32 s4, s25  }
0x88: {  	[hbm4b:s25+s11] =	stream.strided.scatter [tilespmem:s20], [sflag:$0x6], $0x7800, s12, s11, $0x38;
	[tilespmem:$0xFF00] =	vst v63  }
.LBB2_12:
0x89: {  	_ =	sfence.sel $0x180000  }
0x8a: {  	[bflag:$0x0] =	sbarrier.arrive $0xFFFF  }
0x8b: {  	p0 =	sne.s32 s2, $0x0;
	_ =	strace $0x90000047  }
0x8c: {  	s0 =	sadd.s32 @!p0 $0x100000, s0;
	[bflag:$0x2] =	sbarrier.arrive $0xFFFF  }
0x8d: {  	[sflag:s0] =	ssyncadd.tile.s32 @!p0 $0x1;
	_ =	shalt  }
.Lfunc_end2:
_tile_overlayer_lowered:
.L_overlay_start_2:
0x8e: {  	(tag) =	ssettag $0x2  }
0x8f: {  	s0 =	rddreg [dreg:$0x0];
	s2 =	stileid.u32  }
0x90: {  	s1 =	rddreg [dreg:$0x1];
	p0 =	sne.s32 s2, $0x0  }
0x91: {  	s3 =	rddreg [dreg:$0x2];
	[bflag:$0x3] =	sbarrier.arrive $0xFFFF;
	s2 =	simm.s32 @!p0 $0x1C07  }
0x92: {  	[timem:s3], [sflag:s2] =	dma.local @!p0 [hbm:s0], s1  }
0x93: {  	s0 =	simm.s32 @!p0 $0x7  }
0x94: {  	_ =	swait.ge @!p0 [sflag:s0], s1  }
0x95: {  	s1 =	ssub.s32 @!p0 $0x0, s1;
	[sflag:s0] =	ssyncset.done @!p0 $0x0  }
0x96: {  	[sflag:s0] =	ssyncadd.s32 @!p0 s1  }
0x97: {  	[bflag:$0x3] =	sbarrier.arrive $0xFFFF  }
0x98: {  	_ =	shalt  }

</sc_bundles>
